<compile_context>
chip_gen: v7x
topology: tpu7x:2x2x1
jax: 0.10.2.dev20260603
libtpu: 0.0.44.dev20260713+nightly
codegen_flags: <defaults>
</compile_context>

<pallas_src>
import functools

import jax
import jax.numpy as jnp
from jax import lax
from jax.experimental import pallas as pl
from jax.experimental.pallas import tpu as pltpu
from jax.experimental.pallas import tpu_sc as plsc

_N = 10000
_E = 320000
_D = 128
_PD = 8
_NS = 16
_EC = 128
_NCH = 160
_ET = _NCH * _EC
_EP = _NS * _ET
_NP = 10112
_RPT = _NP // _NS



def _q_body(x_ref, w1_ref, w2_ref, gw1c_ref, w3p_ref, gw2c_ref, b1r_ref,
            o_ref):
    w2p = w2_ref[...] * gw1c_ref[...]
    w3p = w3p_ref[...] * gw2c_ref[...]
    w23 = jnp.dot(w2p, w3p, preferred_element_type=jnp.float32)
    wq = jnp.dot(w1_ref[...], w23, preferred_element_type=jnp.float32)
    cq = jnp.dot(b1r_ref[...], w23, preferred_element_type=jnp.float32)
    ones_col = (lax.broadcasted_iota(jnp.int32, (1, _PD), 1) == 4
                ).astype(jnp.float32)
    o_ref[...] = (jnp.dot(x_ref[...], wq, preferred_element_type=jnp.float32)
                  + cq + ones_col)


def _make_q(xp, W1, W2, gw1c, W3p, gw2c, b1r):
    blk = _NP // 4
    return pl.pallas_call(
        _q_body,
        grid=(4,),
        in_specs=[
            pl.BlockSpec((blk, _D), lambda i: (i, 0)),
            pl.BlockSpec((_D, 96), lambda i: (0, 0)),
            pl.BlockSpec((96, 64), lambda i: (0, 0)),
            pl.BlockSpec((96, 1), lambda i: (0, 0)),
            pl.BlockSpec((64, _PD), lambda i: (0, 0)),
            pl.BlockSpec((64, 1), lambda i: (0, 0)),
            pl.BlockSpec((1, 96), lambda i: (0, 0)),
        ],
        out_specs=pl.BlockSpec((blk, _PD), lambda i: (i, 0)),
        out_shape=jax.ShapeDtypeStruct((_NP, _PD), jnp.float32),
    )(xp, W1, W2, gw1c, W3p, gw2c, b1r)



def _sc_body(q_hbm, row_hbm, col_hbm, zeros_hbm, s1_hbm, s2_hbm,
             rowv, colv, gbuf, acc1, acc2, sem):
    sid = lax.axis_index("s")
    r0 = sid * _RPT
    pltpu.sync_copy(zeros_hbm.at[pl.ds(r0, _RPT)], acc1.at[pl.ds(r0, _RPT)])
    pltpu.sync_copy(zeros_hbm.at[pl.ds(r0, _RPT)], acc2.at[pl.ds(r0, _RPT)])
    pltpu.sync_copy(row_hbm.at[sid], rowv)
    pltpu.sync_copy(col_hbm.at[sid], colv)
    plsc.subcore_barrier()

    def hop1(j, carry):
        pltpu.async_copy(q_hbm.at[colv.at[j]], gbuf, sem).wait()
        pltpu.sync_copy(gbuf, acc1.at[rowv.at[j]], add=True)
        return carry

    lax.fori_loop(0, _NCH, hop1, 0)
    plsc.subcore_barrier()
    pltpu.sync_copy(acc1.at[pl.ds(r0, _RPT)], s1_hbm.at[pl.ds(r0, _RPT)])

    def hop2(j, carry):
        pltpu.async_copy(acc1.at[colv.at[j]], gbuf, sem).wait()
        pltpu.sync_copy(gbuf, acc2.at[rowv.at[j]], add=True)
        return carry

    lax.fori_loop(0, _NCH, hop2, 0)
    plsc.subcore_barrier()
    pltpu.sync_copy(acc2.at[pl.ds(r0, _RPT)], s2_hbm.at[pl.ds(r0, _RPT)])


def _make_sc(qt, rowp, colp, zeros):
    mesh = plsc.VectorSubcoreMesh(core_axis_name="c", subcore_axis_name="s",
                                  num_cores=1)
    f = pl.kernel(
        _sc_body,
        out_type=[jax.ShapeDtypeStruct((_NP, _PD), jnp.float32),
                  jax.ShapeDtypeStruct((_NP, _PD), jnp.float32)],
        mesh=mesh,
        compiler_params=pltpu.CompilerParams(use_tc_tiling_on_sc=False),
        scratch_types=[
            pltpu.VMEM((_NCH, _EC), jnp.int32),
            pltpu.VMEM((_NCH, _EC), jnp.int32),
            pltpu.VMEM((_EC, _PD), jnp.float32),
            pltpu.VMEM_SHARED((_NP, _PD), jnp.float32),
            pltpu.VMEM_SHARED((_NP, _PD), jnp.float32),
            pltpu.SemaphoreType.DMA,
        ],
    )
    return f(qt, rowp, colp, zeros)



def _ep_body(s1_ref, s2_ref, w3p_ref, gw2c_ref, b2r_ref, b3r_ref, o_ref):
    w3p = w3p_ref[...] * gw2c_ref[...]
    c2 = jnp.dot(b2r_ref[...], w3p, preferred_element_type=jnp.float32)
    deg = s1_ref[:, 4:5]
    out8 = s2_ref[...] + deg * c2 + b3r_ref[...]
    o_ref[...] = out8[:_N, :4]


def _make_ep(s1, s2, W3p, gw2c, b2r, b3r):
    return pl.pallas_call(
        _ep_body,
        grid=(1,),
        in_specs=[
            pl.BlockSpec((_NP, _PD), lambda i: (0, 0)),
            pl.BlockSpec((_NP, _PD), lambda i: (0, 0)),
            pl.BlockSpec((64, _PD), lambda i: (0, 0)),
            pl.BlockSpec((64, 1), lambda i: (0, 0)),
            pl.BlockSpec((1, 64), lambda i: (0, 0)),
            pl.BlockSpec((1, _PD), lambda i: (0, 0)),
        ],
        out_specs=pl.BlockSpec((_N, 4), lambda i: (0, 0)),
        out_shape=jax.ShapeDtypeStruct((_N, 4), jnp.float32),
    )(s1, s2, W3p, gw2c, b2r, b3r)



def kernel(x, edge_index, W1, b1, gw1, W2, b2, gw2, W3, b3):
    xp = jnp.pad(x, ((0, _NP - _N), (0, 0)))
    gw1c = gw1.reshape(96, 1)
    gw2c = gw2.reshape(64, 1)
    W3p = jnp.pad(W3, ((0, 0), (0, _PD - 4)))
    b1r = b1.reshape(1, 96)
    b2r = b2.reshape(1, 64)
    b3r = jnp.pad(b3, (0, _PD - 4)).reshape(1, _PD)
    pad_idx = jnp.full((_EP - _E,), _N, dtype=jnp.int32)
    rowp = jnp.concatenate([edge_index[0], pad_idx]).reshape(_NS, _NCH, _EC)
    colp = jnp.concatenate([edge_index[1], pad_idx]).reshape(_NS, _NCH, _EC)
    zeros = jnp.zeros((_NP, _PD), jnp.float32)

    qt = _make_q(xp, W1, W2, gw1c, W3p, gw2c, b1r)
    s1, s2 = _make_sc(qt, rowp, colp, zeros)
    return _make_ep(s1, s2, W3p, gw2c, b2r, b3r)

# --- scband reference (transcript-rebuilt; emitter-appended) ---
"""Pipeline reference for scband-my-model-31688268710017 (READ-ONLY COPY).

The authoritative reference and input builder live on the scoring server;
editing this copy changes nothing except your own understanding.
"""

import jax, jax.numpy as jnp
import numpy as np

N = 10000
E = 320000
D = 128


def setup_inputs(seed: int = 0) -> dict:
    key = jax.random.key(seed)
    ks = jax.random.split(key, 10)
    x = jax.random.normal(ks[0], (N, D), dtype=jnp.float32)
    edge_index = jax.random.randint(ks[1], (2, E), 0, N, dtype=jnp.int32)
    # dense1: D -> 96
    W1 = jax.random.normal(ks[2], (D, 96), dtype=jnp.float32) * 0.05
    b1 = jnp.zeros((96,), dtype=jnp.float32)
    # gcn1 elementwise weight (1, 96)
    gw1 = jax.random.normal(ks[3], (1, 96), dtype=jnp.float32) * 0.05
    # dense2: 96 -> 64
    W2 = jax.random.normal(ks[4], (96, 64), dtype=jnp.float32) * 0.05
    b2 = jnp.zeros((64,), dtype=jnp.float32)
    # gcn2 elementwise weight (1, 64)
    gw2 = jax.random.normal(ks[5], (1, 64), dtype=jnp.float32) * 0.05
    # dense3: 64 -> 4
    W3 = jax.random.normal(ks[6], (64, 4), dtype=jnp.float32) * 0.05
    b3 = jnp.zeros((4,), dtype=jnp.float32)
    return {"x": x, "edge_index": edge_index, "W1": W1, "b1": b1, "gw1": gw1,
            "W2": W2, "b2": b2, "gw2": gw2, "W3": W3, "b3": b3}


def reference(x, edge_index, W1, b1, gw1, W2, b2, gw2, W3, b3):
    # adj is a sparse [N, N] 0/1 matrix in COO form: edge (row=dst, col=src)
    row = edge_index[0]
    col = edge_index[1]
    # dense1
    h = x @ W1 + b1
    # gcn1 (training branch): ax = adj @ h; z = ax * weights1
    ax = jnp.zeros((N, h.shape[1]), dtype=h.dtype).at[row].add(h[col])
    z = ax * gw1
    # dense2
    h2 = z @ W2 + b2
    # gcn2: ax2 = adj @ h2; z2 = ax2 * weights1(2)
    ax2 = jnp.zeros((N, h2.shape[1]), dtype=h2.dtype).at[row].add(h2[col])
    z2 = ax2 * gw2
    # dense3
    out = z2 @ W3 + b3
    return out

if __name__ == "__main__":
    import jax
    _d = setup_inputs()
    print(jax.jit(kernel)(*tuple(_d.values())))

</pallas_src>

<mosaic_0001>
#map = affine_map<(d0, d1) -> (0, 0)>
#map1 = affine_map<(d0, d1) -> (0, 0, 0)>
module attributes {stable_mosaic.version = 14 : i64} {
  func.func @_sc_body(%arg0: i32, %arg1: i32, %arg2: memref<10112x8xf32, #tpu.memory_space<hbm>>, %arg3: memref<16x160x128xi32, #tpu.memory_space<hbm>>, %arg4: memref<16x160x128xi32, #tpu.memory_space<hbm>>, %arg5: memref<10112x8xf32, #tpu.memory_space<hbm>>, %arg6: memref<10112x8xf32, #tpu.memory_space<hbm>>, %arg7: memref<10112x8xf32, #tpu.memory_space<hbm>>, %arg8: memref<160x128xi32, #tpu.memory_space<vmem>>, %arg9: memref<160x128xi32, #tpu.memory_space<vmem>>, %arg10: memref<128x8xf32, #tpu.memory_space<vmem>>, %arg11: memref<10112x8xf32, #tpu.memory_space<vmem_shared>>, %arg12: memref<10112x8xf32, #tpu.memory_space<vmem_shared>>, %arg13: memref<!tpu.dma_semaphore, #tpu.memory_space<semaphore_mem>>) attributes {dimension_semantics = [#tpu.dimension_semantics<core_parallel>, #tpu.dimension_semantics<subcore_parallel>], iteration_bounds = array<i64: 1, 16>, scalar_prefetch = 0 : i64, scratch_operands = 6 : i64, tpu.core_type = #tpu.core_type<sc_vector_subcore>, window_params = [{transform_indices = #map}, {transform_indices = #map1}, {transform_indices = #map1}, {transform_indices = #map}, {transform_indices = #map}, {transform_indices = #map}]} {
    %mul3A = arith.constant 632 : i32
    %mul3A_0 = arith.muli %arg1, %mul3A : i32
    "tpu.region"() ({
      %run_scoped3A = tpu.sem_alloc : memref<!tpu.dma_semaphore, #tpu.memory_space<semaphore_mem>>
      %dma_start3A = arith.constant 0 : i32
      %dma_start3A_14 = tpu.memref_slice %arg11[%mul3A_0, %dma_start3A] : memref<10112x8xf32, #tpu.memory_space<vmem_shared>> -> memref<632x8xf32, #tpu.memory_space<vmem_shared>>
      %dma_start3A_15 = arith.constant 0 : i32
      %dma_start3A_16 = tpu.memref_slice %arg5[%mul3A_0, %dma_start3A_15] : memref<10112x8xf32, #tpu.memory_space<hbm>> -> memref<632x8xf32, #tpu.memory_space<hbm>>
      tpu.enqueue_dma source(%dma_start3A_16 : memref<632x8xf32, #tpu.memory_space<hbm>>) target(%dma_start3A_14 : memref<632x8xf32, #tpu.memory_space<vmem_shared>>) target_semaphore(%run_scoped3A : memref<!tpu.dma_semaphore, #tpu.memory_space<semaphore_mem>>)
      %dma_wait3A = arith.constant 0 : i32
      %dma_wait3A_17 = tpu.memref_slice %arg11[%mul3A_0, %dma_wait3A] : memref<10112x8xf32, #tpu.memory_space<vmem_shared>> -> memref<632x8xf32, #tpu.memory_space<vmem_shared>>
      %dma_wait3A_18 = arith.constant 0 : i32
      %dma_wait3A_19 = tpu.memref_slice %arg5[%mul3A_0, %dma_wait3A_18] : memref<10112x8xf32, #tpu.memory_space<hbm>> -> memref<632x8xf32, #tpu.memory_space<hbm>>
      tpu.wait_dma2 semaphore(%run_scoped3A : memref<!tpu.dma_semaphore, #tpu.memory_space<semaphore_mem>>) src(%dma_wait3A_19 : memref<632x8xf32, #tpu.memory_space<hbm>>) dst(%dma_wait3A_17 : memref<632x8xf32, #tpu.memory_space<vmem_shared>>)
      tpu.yield
    }) : () -> ()
    "tpu.region"() ({
      %run_scoped3A = tpu.sem_alloc : memref<!tpu.dma_semaphore, #tpu.memory_space<semaphore_mem>>
      %dma_start3A = arith.constant 0 : i32
      %dma_start3A_14 = tpu.memref_slice %arg12[%mul3A_0, %dma_start3A] : memref<10112x8xf32, #tpu.memory_space<vmem_shared>> -> memref<632x8xf32, #tpu.memory_space<vmem_shared>>
      %dma_start3A_15 = arith.constant 0 : i32
      %dma_start3A_16 = tpu.memref_slice %arg5[%mul3A_0, %dma_start3A_15] : memref<10112x8xf32, #tpu.memory_space<hbm>> -> memref<632x8xf32, #tpu.memory_space<hbm>>
      tpu.enqueue_dma source(%dma_start3A_16 : memref<632x8xf32, #tpu.memory_space<hbm>>) target(%dma_start3A_14 : memref<632x8xf32, #tpu.memory_space<vmem_shared>>) target_semaphore(%run_scoped3A : memref<!tpu.dma_semaphore, #tpu.memory_space<semaphore_mem>>)
      %dma_wait3A = arith.constant 0 : i32
      %dma_wait3A_17 = tpu.memref_slice %arg12[%mul3A_0, %dma_wait3A] : memref<10112x8xf32, #tpu.memory_space<vmem_shared>> -> memref<632x8xf32, #tpu.memory_space<vmem_shared>>
      %dma_wait3A_18 = arith.constant 0 : i32
      %dma_wait3A_19 = tpu.memref_slice %arg5[%mul3A_0, %dma_wait3A_18] : memref<10112x8xf32, #tpu.memory_space<hbm>> -> memref<632x8xf32, #tpu.memory_space<hbm>>
      tpu.wait_dma2 semaphore(%run_scoped3A : memref<!tpu.dma_semaphore, #tpu.memory_space<semaphore_mem>>) src(%dma_wait3A_19 : memref<632x8xf32, #tpu.memory_space<hbm>>) dst(%dma_wait3A_17 : memref<632x8xf32, #tpu.memory_space<vmem_shared>>)
      tpu.yield
    }) : () -> ()
    "tpu.region"() ({
      %run_scoped3A = tpu.sem_alloc : memref<!tpu.dma_semaphore, #tpu.memory_space<semaphore_mem>>
      %dma_start3A = arith.constant 0 : i32
      %dma_start3A_14 = arith.constant 0 : i32
      %dma_start3A_15 = tpu.memref_slice %arg3[%arg1, %dma_start3A, %dma_start3A_14] : memref<16x160x128xi32, #tpu.memory_space<hbm>> -> memref<1x160x128xi32, #tpu.memory_space<hbm>>
      %dma_start3A_16 = tpu.memref_squeeze %dma_start3A_15 : memref<1x160x128xi32, #tpu.memory_space<hbm>> -> memref<160x128xi32, #tpu.memory_space<hbm>>
      %dma_start3A_17 = arith.constant 0 : i32
      %dma_start3A_18 = arith.constant 0 : i32
      %dma_start3A_19 = tpu.memref_slice %arg3[%arg1, %dma_start3A_17, %dma_start3A_18] : memref<16x160x128xi32, #tpu.memory_space<hbm>> -> memref<1x160x128xi32, #tpu.memory_space<hbm>>
      %dma_start3A_20 = tpu.memref_squeeze %dma_start3A_19 : memref<1x160x128xi32, #tpu.memory_space<hbm>> -> memref<160x128xi32, #tpu.memory_space<hbm>>
      tpu.enqueue_dma source(%dma_start3A_20 : memref<160x128xi32, #tpu.memory_space<hbm>>) target(%arg8 : memref<160x128xi32, #tpu.memory_space<vmem>>) target_semaphore(%run_scoped3A : memref<!tpu.dma_semaphore, #tpu.memory_space<semaphore_mem>>)
      %dma_wait3A = arith.constant 0 : i32
      %dma_wait3A_21 = arith.constant 0 : i32
      %dma_wait3A_22 = tpu.memref_slice %arg3[%arg1, %dma_wait3A, %dma_wait3A_21] : memref<16x160x128xi32, #tpu.memory_space<hbm>> -> memref<1x160x128xi32, #tpu.memory_space<hbm>>
      %dma_wait3A_23 = tpu.memref_squeeze %dma_wait3A_22 : memref<1x160x128xi32, #tpu.memory_space<hbm>> -> memref<160x128xi32, #tpu.memory_space<hbm>>
      %dma_wait3A_24 = arith.constant 0 : i32
      %dma_wait3A_25 = arith.constant 0 : i32
      %dma_wait3A_26 = tpu.memref_slice %arg3[%arg1, %dma_wait3A_24, %dma_wait3A_25] : memref<16x160x128xi32, #tpu.memory_space<hbm>> -> memref<1x160x128xi32, #tpu.memory_space<hbm>>
      %dma_wait3A_27 = tpu.memref_squeeze %dma_wait3A_26 : memref<1x160x128xi32, #tpu.memory_space<hbm>> -> memref<160x128xi32, #tpu.memory_space<hbm>>
      tpu.wait_dma2 semaphore(%run_scoped3A : memref<!tpu.dma_semaphore, #tpu.memory_space<semaphore_mem>>) src(%dma_wait3A_27 : memref<160x128xi32, #tpu.memory_space<hbm>>) dst(%arg8 : memref<160x128xi32, #tpu.memory_space<vmem>>)
      tpu.yield
    }) : () -> ()
    "tpu.region"() ({
      %run_scoped3A = tpu.sem_alloc : memref<!tpu.dma_semaphore, #tpu.memory_space<semaphore_mem>>
      %dma_start3A = arith.constant 0 : i32
      %dma_start3A_14 = arith.constant 0 : i32
      %dma_start3A_15 = tpu.memref_slice %arg4[%arg1, %dma_start3A, %dma_start3A_14] : memref<16x160x128xi32, #tpu.memory_space<hbm>> -> memref<1x160x128xi32, #tpu.memory_space<hbm>>
      %dma_start3A_16 = tpu.memref_squeeze %dma_start3A_15 : memref<1x160x128xi32, #tpu.memory_space<hbm>> -> memref<160x128xi32, #tpu.memory_space<hbm>>
      %dma_start3A_17 = arith.constant 0 : i32
      %dma_start3A_18 = arith.constant 0 : i32
      %dma_start3A_19 = tpu.memref_slice %arg4[%arg1, %dma_start3A_17, %dma_start3A_18] : memref<16x160x128xi32, #tpu.memory_space<hbm>> -> memref<1x160x128xi32, #tpu.memory_space<hbm>>
      %dma_start3A_20 = tpu.memref_squeeze %dma_start3A_19 : memref<1x160x128xi32, #tpu.memory_space<hbm>> -> memref<160x128xi32, #tpu.memory_space<hbm>>
      tpu.enqueue_dma source(%dma_start3A_20 : memref<160x128xi32, #tpu.memory_space<hbm>>) target(%arg9 : memref<160x128xi32, #tpu.memory_space<vmem>>) target_semaphore(%run_scoped3A : memref<!tpu.dma_semaphore, #tpu.memory_space<semaphore_mem>>)
      %dma_wait3A = arith.constant 0 : i32
      %dma_wait3A_21 = arith.constant 0 : i32
      %dma_wait3A_22 = tpu.memref_slice %arg4[%arg1, %dma_wait3A, %dma_wait3A_21] : memref<16x160x128xi32, #tpu.memory_space<hbm>> -> memref<1x160x128xi32, #tpu.memory_space<hbm>>
      %dma_wait3A_23 = tpu.memref_squeeze %dma_wait3A_22 : memref<1x160x128xi32, #tpu.memory_space<hbm>> -> memref<160x128xi32, #tpu.memory_space<hbm>>
      %dma_wait3A_24 = arith.constant 0 : i32
      %dma_wait3A_25 = arith.constant 0 : i32
      %dma_wait3A_26 = tpu.memref_slice %arg4[%arg1, %dma_wait3A_24, %dma_wait3A_25] : memref<16x160x128xi32, #tpu.memory_space<hbm>> -> memref<1x160x128xi32, #tpu.memory_space<hbm>>
      %dma_wait3A_27 = tpu.memref_squeeze %dma_wait3A_26 : memref<1x160x128xi32, #tpu.memory_space<hbm>> -> memref<160x128xi32, #tpu.memory_space<hbm>>
      tpu.wait_dma2 semaphore(%run_scoped3A : memref<!tpu.dma_semaphore, #tpu.memory_space<semaphore_mem>>) src(%dma_wait3A_27 : memref<160x128xi32, #tpu.memory_space<hbm>>) dst(%arg9 : memref<160x128xi32, #tpu.memory_space<vmem>>)
      tpu.yield
    }) : () -> ()
    %barrier3A = arith.constant 0 : index
    tpu.barrier barrier_id(%barrier3A)
    %scan3A = arith.constant 0 : i32
    %scan3A_1 = arith.constant 0 : i32
    %scan3A_2 = arith.constant 160 : i32
    %scan3A_3 = arith.addi %scan3A_1, %scan3A_2 : i32
    %scan3A_4 = arith.constant 1 : i32
    scf.for %scan3A_14 = %scan3A_1 to %scan3A_3 step %scan3A_4  : i32 {
      %dma_start3A = arith.constant 0 : i32
      %dma_start3A_15 = tpu.memref_slice %arg9[%scan3A_14, %dma_start3A] : memref<160x128xi32, #tpu.memory_space<vmem>> -> memref<1x128xi32, #tpu.memory_space<vmem>>
      %dma_start3A_16 = tpu.memref_squeeze %dma_start3A_15 : memref<1x128xi32, #tpu.memory_space<vmem>> -> memref<128xi32, #tpu.memory_space<vmem>>
      %dma_start3A_17 = arith.constant 0 : i32
      %dma_start3A_18 = arith.constant 0 : i32
      %dma_start3A_19 = tpu.memref_slice %arg2[%dma_start3A_17, %dma_start3A_18] : memref<10112x8xf32, #tpu.memory_space<hbm>> -> memref<10112x8xf32, #tpu.memory_space<hbm>>
      tpu.enqueue_indirect_dma source(%dma_start3A_19 : memref<10112x8xf32, #tpu.memory_space<hbm>>) target(%arg10 : memref<128x8xf32, #tpu.memory_space<vmem>>) offsets(%dma_start3A_16 : memref<128xi32, #tpu.memory_space<vmem>>) semaphore(%arg13 : memref<!tpu.dma_semaphore, #tpu.memory_space<semaphore_mem>>)
      %dma_wait3A = arith.constant 0 : i32
      %dma_wait3A_20 = tpu.memref_slice %arg9[%scan3A_14, %dma_wait3A] : memref<160x128xi32, #tpu.memory_space<vmem>> -> memref<1x128xi32, #tpu.memory_space<vmem>>
      %dma_wait3A_21 = tpu.memref_squeeze %dma_wait3A_20 : memref<1x128xi32, #tpu.memory_space<vmem>> -> memref<128xi32, #tpu.memory_space<vmem>>
      %dma_wait3A_22 = arith.constant 0 : i32
      %dma_wait3A_23 = arith.constant 0 : i32
      %dma_wait3A_24 = tpu.memref_slice %arg2[%dma_wait3A_22, %dma_wait3A_23] : memref<10112x8xf32, #tpu.memory_space<hbm>> -> memref<10112x8xf32, #tpu.memory_space<hbm>>
      tpu.wait_indirect_dma semaphore(%arg13 : memref<!tpu.dma_semaphore, #tpu.memory_space<semaphore_mem>>) src(%dma_wait3A_24 : memref<10112x8xf32, #tpu.memory_space<hbm>>) dst(%arg10 : memref<128x8xf32, #tpu.memory_space<vmem>>)
      "tpu.region"() ({
        %run_scoped3A = tpu.sem_alloc : memref<!tpu.dma_semaphore, #tpu.memory_space<semaphore_mem>>
        %dma_start3A_25 = arith.constant 0 : i32
        %dma_start3A_26 = tpu.memref_slice %arg8[%scan3A_14, %dma_start3A_25] : memref<160x128xi32, #tpu.memory_space<vmem>> -> memref<1x128xi32, #tpu.memory_space<vmem>>
        %dma_start3A_27 = tpu.memref_squeeze %dma_start3A_26 : memref<1x128xi32, #tpu.memory_space<vmem>> -> memref<128xi32, #tpu.memory_space<vmem>>
        %dma_start3A_28 = arith.constant 0 : i32
        %dma_start3A_29 = arith.constant 0 : i32
        %dma_start3A_30 = tpu.memref_slice %arg11[%dma_start3A_28, %dma_start3A_29] : memref<10112x8xf32, #tpu.memory_space<vmem_shared>> -> memref<10112x8xf32, #tpu.memory_space<vmem_shared>>
        tpu.enqueue_indirect_dma source(%arg10 : memref<128x8xf32, #tpu.memory_space<vmem>>) target(%dma_start3A_30 : memref<10112x8xf32, #tpu.memory_space<vmem_shared>>) offsets(%dma_start3A_27 : memref<128xi32, #tpu.memory_space<vmem>>) semaphore(%run_scoped3A : memref<!tpu.dma_semaphore, #tpu.memory_space<semaphore_mem>>) {add = true}
        %dma_wait3A_31 = arith.constant 0 : i32
        %dma_wait3A_32 = tpu.memref_slice %arg8[%scan3A_14, %dma_wait3A_31] : memref<160x128xi32, #tpu.memory_space<vmem>> -> memref<1x128xi32, #tpu.memory_space<vmem>>
        %dma_wait3A_33 = tpu.memref_squeeze %dma_wait3A_32 : memref<1x128xi32, #tpu.memory_space<vmem>> -> memref<128xi32, #tpu.memory_space<vmem>>
        %dma_wait3A_34 = arith.constant 0 : i32
        %dma_wait3A_35 = arith.constant 0 : i32
        %dma_wait3A_36 = tpu.memref_slice %arg11[%dma_wait3A_34, %dma_wait3A_35] : memref<10112x8xf32, #tpu.memory_space<vmem_shared>> -> memref<10112x8xf32, #tpu.memory_space<vmem_shared>>
        tpu.wait_indirect_dma semaphore(%run_scoped3A : memref<!tpu.dma_semaphore, #tpu.memory_space<semaphore_mem>>) src(%arg10 : memref<128x8xf32, #tpu.memory_space<vmem>>) dst(%dma_wait3A_36 : memref<10112x8xf32, #tpu.memory_space<vmem_shared>>)
        tpu.yield
      }) : () -> ()
    }
    %scan3A_5 = arith.constant 160 : i32
    %barrier3A_6 = arith.constant 0 : index
    tpu.barrier barrier_id(%barrier3A_6)
    "tpu.region"() ({
      %run_scoped3A = tpu.sem_alloc : memref<!tpu.dma_semaphore, #tpu.memory_space<semaphore_mem>>
      %dma_start3A = arith.constant 0 : i32
      %dma_start3A_14 = tpu.memref_slice %arg6[%mul3A_0, %dma_start3A] : memref<10112x8xf32, #tpu.memory_space<hbm>> -> memref<632x8xf32, #tpu.memory_space<hbm>>
      %dma_start3A_15 = arith.constant 0 : i32
      %dma_start3A_16 = tpu.memref_slice %arg11[%mul3A_0, %dma_start3A_15] : memref<10112x8xf32, #tpu.memory_space<vmem_shared>> -> memref<632x8xf32, #tpu.memory_space<vmem_shared>>
      tpu.enqueue_dma source(%dma_start3A_16 : memref<632x8xf32, #tpu.memory_space<vmem_shared>>) target(%dma_start3A_14 : memref<632x8xf32, #tpu.memory_space<hbm>>) target_semaphore(%run_scoped3A : memref<!tpu.dma_semaphore, #tpu.memory_space<semaphore_mem>>)
      %dma_wait3A = arith.constant 0 : i32
      %dma_wait3A_17 = tpu.memref_slice %arg6[%mul3A_0, %dma_wait3A] : memref<10112x8xf32, #tpu.memory_space<hbm>> -> memref<632x8xf32, #tpu.memory_space<hbm>>
      %dma_wait3A_18 = arith.constant 0 : i32
      %dma_wait3A_19 = tpu.memref_slice %arg11[%mul3A_0, %dma_wait3A_18] : memref<10112x8xf32, #tpu.memory_space<vmem_shared>> -> memref<632x8xf32, #tpu.memory_space<vmem_shared>>
      tpu.wait_dma2 semaphore(%run_scoped3A : memref<!tpu.dma_semaphore, #tpu.memory_space<semaphore_mem>>) src(%dma_wait3A_19 : memref<632x8xf32, #tpu.memory_space<vmem_shared>>) dst(%dma_wait3A_17 : memref<632x8xf32, #tpu.memory_space<hbm>>)
      tpu.yield
    }) : () -> ()
    %scan3A_7 = arith.constant 0 : i32
    %scan3A_8 = arith.constant 0 : i32
    %scan3A_9 = arith.constant 160 : i32
    %scan3A_10 = arith.addi %scan3A_8, %scan3A_9 : i32
    %scan3A_11 = arith.constant 1 : i32
    scf.for %scan3A_14 = %scan3A_8 to %scan3A_10 step %scan3A_11  : i32 {
      %dma_start3A = arith.constant 0 : i32
      %dma_start3A_15 = tpu.memref_slice %arg9[%scan3A_14, %dma_start3A] : memref<160x128xi32, #tpu.memory_space<vmem>> -> memref<1x128xi32, #tpu.memory_space<vmem>>
      %dma_start3A_16 = tpu.memref_squeeze %dma_start3A_15 : memref<1x128xi32, #tpu.memory_space<vmem>> -> memref<128xi32, #tpu.memory_space<vmem>>
      %dma_start3A_17 = arith.constant 0 : i32
      %dma_start3A_18 = arith.constant 0 : i32
      %dma_start3A_19 = tpu.memref_slice %arg11[%dma_start3A_17, %dma_start3A_18] : memref<10112x8xf32, #tpu.memory_space<vmem_shared>> -> memref<10112x8xf32, #tpu.memory_space<vmem_shared>>
      tpu.enqueue_indirect_dma source(%dma_start3A_19 : memref<10112x8xf32, #tpu.memory_space<vmem_shared>>) target(%arg10 : memref<128x8xf32, #tpu.memory_space<vmem>>) offsets(%dma_start3A_16 : memref<128xi32, #tpu.memory_space<vmem>>) semaphore(%arg13 : memref<!tpu.dma_semaphore, #tpu.memory_space<semaphore_mem>>)
      %dma_wait3A = arith.constant 0 : i32
      %dma_wait3A_20 = tpu.memref_slice %arg9[%scan3A_14, %dma_wait3A] : memref<160x128xi32, #tpu.memory_space<vmem>> -> memref<1x128xi32, #tpu.memory_space<vmem>>
      %dma_wait3A_21 = tpu.memref_squeeze %dma_wait3A_20 : memref<1x128xi32, #tpu.memory_space<vmem>> -> memref<128xi32, #tpu.memory_space<vmem>>
      %dma_wait3A_22 = arith.constant 0 : i32
      %dma_wait3A_23 = arith.constant 0 : i32
      %dma_wait3A_24 = tpu.memref_slice %arg11[%dma_wait3A_22, %dma_wait3A_23] : memref<10112x8xf32, #tpu.memory_space<vmem_shared>> -> memref<10112x8xf32, #tpu.memory_space<vmem_shared>>
      tpu.wait_indirect_dma semaphore(%arg13 : memref<!tpu.dma_semaphore, #tpu.memory_space<semaphore_mem>>) src(%dma_wait3A_24 : memref<10112x8xf32, #tpu.memory_space<vmem_shared>>) dst(%arg10 : memref<128x8xf32, #tpu.memory_space<vmem>>)
      "tpu.region"() ({
        %run_scoped3A = tpu.sem_alloc : memref<!tpu.dma_semaphore, #tpu.memory_space<semaphore_mem>>
        %dma_start3A_25 = arith.constant 0 : i32
        %dma_start3A_26 = tpu.memref_slice %arg8[%scan3A_14, %dma_start3A_25] : memref<160x128xi32, #tpu.memory_space<vmem>> -> memref<1x128xi32, #tpu.memory_space<vmem>>
        %dma_start3A_27 = tpu.memref_squeeze %dma_start3A_26 : memref<1x128xi32, #tpu.memory_space<vmem>> -> memref<128xi32, #tpu.memory_space<vmem>>
        %dma_start3A_28 = arith.constant 0 : i32
        %dma_start3A_29 = arith.constant 0 : i32
        %dma_start3A_30 = tpu.memref_slice %arg12[%dma_start3A_28, %dma_start3A_29] : memref<10112x8xf32, #tpu.memory_space<vmem_shared>> -> memref<10112x8xf32, #tpu.memory_space<vmem_shared>>
        tpu.enqueue_indirect_dma source(%arg10 : memref<128x8xf32, #tpu.memory_space<vmem>>) target(%dma_start3A_30 : memref<10112x8xf32, #tpu.memory_space<vmem_shared>>) offsets(%dma_start3A_27 : memref<128xi32, #tpu.memory_space<vmem>>) semaphore(%run_scoped3A : memref<!tpu.dma_semaphore, #tpu.memory_space<semaphore_mem>>) {add = true}
        %dma_wait3A_31 = arith.constant 0 : i32
        %dma_wait3A_32 = tpu.memref_slice %arg8[%scan3A_14, %dma_wait3A_31] : memref<160x128xi32, #tpu.memory_space<vmem>> -> memref<1x128xi32, #tpu.memory_space<vmem>>
        %dma_wait3A_33 = tpu.memref_squeeze %dma_wait3A_32 : memref<1x128xi32, #tpu.memory_space<vmem>> -> memref<128xi32, #tpu.memory_space<vmem>>
        %dma_wait3A_34 = arith.constant 0 : i32
        %dma_wait3A_35 = arith.constant 0 : i32
        %dma_wait3A_36 = tpu.memref_slice %arg12[%dma_wait3A_34, %dma_wait3A_35] : memref<10112x8xf32, #tpu.memory_space<vmem_shared>> -> memref<10112x8xf32, #tpu.memory_space<vmem_shared>>
        tpu.wait_indirect_dma semaphore(%run_scoped3A : memref<!tpu.dma_semaphore, #tpu.memory_space<semaphore_mem>>) src(%arg10 : memref<128x8xf32, #tpu.memory_space<vmem>>) dst(%dma_wait3A_36 : memref<10112x8xf32, #tpu.memory_space<vmem_shared>>)
        tpu.yield
      }) : () -> ()
    }
    %scan3A_12 = arith.constant 160 : i32
    %barrier3A_13 = arith.constant 0 : index
    tpu.barrier barrier_id(%barrier3A_13)
    "tpu.region"() ({
      %run_scoped3A = tpu.sem_alloc : memref<!tpu.dma_semaphore, #tpu.memory_space<semaphore_mem>>
      %dma_start3A = arith.constant 0 : i32
      %dma_start3A_14 = tpu.memref_slice %arg7[%mul3A_0, %dma_start3A] : memref<10112x8xf32, #tpu.memory_space<hbm>> -> memref<632x8xf32, #tpu.memory_space<hbm>>
      %dma_start3A_15 = arith.constant 0 : i32
      %dma_start3A_16 = tpu.memref_slice %arg12[%mul3A_0, %dma_start3A_15] : memref<10112x8xf32, #tpu.memory_space<vmem_shared>> -> memref<632x8xf32, #tpu.memory_space<vmem_shared>>
      tpu.enqueue_dma source(%dma_start3A_16 : memref<632x8xf32, #tpu.memory_space<vmem_shared>>) target(%dma_start3A_14 : memref<632x8xf32, #tpu.memory_space<hbm>>) target_semaphore(%run_scoped3A : memref<!tpu.dma_semaphore, #tpu.memory_space<semaphore_mem>>)
      %dma_wait3A = arith.constant 0 : i32
      %dma_wait3A_17 = tpu.memref_slice %arg7[%mul3A_0, %dma_wait3A] : memref<10112x8xf32, #tpu.memory_space<hbm>> -> memref<632x8xf32, #tpu.memory_space<hbm>>
      %dma_wait3A_18 = arith.constant 0 : i32
      %dma_wait3A_19 = tpu.memref_slice %arg12[%mul3A_0, %dma_wait3A_18] : memref<10112x8xf32, #tpu.memory_space<vmem_shared>> -> memref<632x8xf32, #tpu.memory_space<vmem_shared>>
      tpu.wait_dma2 semaphore(%run_scoped3A : memref<!tpu.dma_semaphore, #tpu.memory_space<semaphore_mem>>) src(%dma_wait3A_19 : memref<632x8xf32, #tpu.memory_space<vmem_shared>>) dst(%dma_wait3A_17 : memref<632x8xf32, #tpu.memory_space<hbm>>)
      tpu.yield
    }) : () -> ()
    return
  }
}

module attributes {stable_mosaic.version = 14 : i64} {
  func.func @_q_body(%arg0: i32, %arg1: memref<2528x128xf32, #tpu.memory_space<vmem>>, %arg2: memref<128x96xf32, #tpu.memory_space<vmem>>, %arg3: memref<96x64xf32, #tpu.memory_space<vmem>>, %arg4: memref<96x1xf32, #tpu.memory_space<vmem>>, %arg5: memref<64x8xf32, #tpu.memory_space<vmem>>, %arg6: memref<64x1xf32, #tpu.memory_space<vmem>>, %arg7: memref<1x96xf32, #tpu.memory_space<vmem>>, %arg8: memref<2528x8xf32, #tpu.memory_space<vmem>>) attributes {dimension_semantics = [#tpu.dimension_semantics<arbitrary>], iteration_bounds = array<i64: 4>, scalar_prefetch = 0 : i64, scratch_operands = 0 : i64, tpu.core_type = #tpu.core_type<tc>, window_params = [{transform_indices = @transform_0, window_bounds = array<i64: 2528, 128>}, {pipeline_mode = #tpu.pipeline_mode<synchronous>, transform_indices = @transform_1, window_bounds = array<i64: 128, 96>}, {pipeline_mode = #tpu.pipeline_mode<synchronous>, transform_indices = @transform_2, window_bounds = array<i64: 96, 64>}, {pipeline_mode = #tpu.pipeline_mode<synchronous>, transform_indices = @transform_3, window_bounds = array<i64: 96, 1>}, {pipeline_mode = #tpu.pipeline_mode<synchronous>, transform_indices = @transform_4, window_bounds = array<i64: 64, 8>}, {pipeline_mode = #tpu.pipeline_mode<synchronous>, transform_indices = @transform_5, window_bounds = array<i64: 64, 1>}, {pipeline_mode = #tpu.pipeline_mode<synchronous>, transform_indices = @transform_6, window_bounds = array<i64: 1, 96>}, {transform_indices = @transform_7, window_bounds = array<i64: 2528, 8>}]} {
    %get3A = arith.constant 0 : index
    %get3A_0 = arith.constant 0 : index
    %get3A_1 = vector.load %arg3[%get3A, %get3A_0] : memref<96x64xf32, #tpu.memory_space<vmem>>, vector<96x64xf32>
    %get3A_2 = arith.constant 0 : index
    %get3A_3 = arith.constant 0 : index
    %get3A_4 = vector.load %arg4[%get3A_2, %get3A_3] : memref<96x1xf32, #tpu.memory_space<vmem>>, vector<96x1xf32>
    %mul3A = vector.broadcast %get3A_4 : vector<96x1xf32> to vector<96x64xf32>
    %mul3A_5 = arith.mulf %get3A_1, %mul3A : vector<96x64xf32>
    %get3A_6 = arith.constant 0 : index
    %get3A_7 = arith.constant 0 : index
    %get3A_8 = vector.load %arg5[%get3A_6, %get3A_7] : memref<64x8xf32, #tpu.memory_space<vmem>>, vector<64x8xf32>
    %get3A_9 = arith.constant 0 : index
    %get3A_10 = arith.constant 0 : index
    %get3A_11 = vector.load %arg6[%get3A_9, %get3A_10] : memref<64x1xf32, #tpu.memory_space<vmem>>, vector<64x1xf32>
    %mul3A_12 = vector.broadcast %get3A_11 : vector<64x1xf32> to vector<64x8xf32>
    %mul3A_13 = arith.mulf %get3A_8, %mul3A_12 : vector<64x8xf32>
    %dot_general3A = arith.constant dense<0.000000e+00> : vector<96x8xf32>
    %dot_general3A_14 = tpu.matmul %mul3A_5, %mul3A_13, %dot_general3A {dimension_numbers = #tpu.dot_dimension_numbers<[1], [0], [0], [1], [0, 0, 1, 1], [], []>, transpose_lhs_hint = false} : vector<96x64xf32>, vector<64x8xf32>, vector<96x8xf32> -> vector<96x8xf32>
    %get3A_15 = arith.constant 0 : index
    %get3A_16 = arith.constant 0 : index
    %get3A_17 = vector.load %arg2[%get3A_15, %get3A_16] : memref<128x96xf32, #tpu.memory_space<vmem>>, vector<128x96xf32>
    %dot_general3A_18 = arith.constant dense<0.000000e+00> : vector<128x8xf32>
    %dot_general3A_19 = tpu.matmul %get3A_17, %dot_general3A_14, %dot_general3A_18 {dimension_numbers = #tpu.dot_dimension_numbers<[1], [0], [0], [1], [0, 0, 1, 1], [], []>, transpose_lhs_hint = false} : vector<128x96xf32>, vector<96x8xf32>, vector<128x8xf32> -> vector<128x8xf32>
    %get3A_20 = arith.constant 0 : index
    %get3A_21 = arith.constant 0 : index
    %get3A_22 = vector.load %arg7[%get3A_20, %get3A_21] : memref<1x96xf32, #tpu.memory_space<vmem>>, vector<1x96xf32>
    %dot_general3A_23 = arith.constant dense<0.000000e+00> : vector<1x8xf32>
    %dot_general3A_24 = tpu.matmul %get3A_22, %dot_general3A_14, %dot_general3A_23 {dimension_numbers = #tpu.dot_dimension_numbers<[1], [0], [0], [1], [0, 0, 1, 1], [], []>, transpose_lhs_hint = false} : vector<1x96xf32>, vector<96x8xf32>, vector<1x8xf32> -> vector<1x8xf32>
    %iota3A = tpu.iota {dimensions = array<i32: 1>} : vector<1x8xi32>
    %eq3A = arith.constant 4 : i32
    %eq3A_25 = vector.broadcast %eq3A : i32 to vector<1x8xi32>
    %eq3A_26 = arith.cmpi eq, %iota3A, %eq3A_25 : vector<1x8xi32>
    %convert_element_type3A = arith.extui %eq3A_26 : vector<1x8xi1> to vector<1x8xi32>
    %convert_element_type3A_27 = arith.sitofp %convert_element_type3A : vector<1x8xi32> to vector<1x8xf32>
    %get3A_28 = arith.constant 0 : index
    %get3A_29 = arith.constant 0 : index
    %get3A_30 = vector.load %arg1[%get3A_28, %get3A_29] : memref<2528x128xf32, #tpu.memory_space<vmem>>, vector<2528x128xf32>
    %dot_general3A_31 = arith.constant dense<0.000000e+00> : vector<2528x8xf32>
    %dot_general3A_32 = tpu.matmul %get3A_30, %dot_general3A_19, %dot_general3A_31 {dimension_numbers = #tpu.dot_dimension_numbers<[1], [0], [0], [1], [0, 0, 1, 1], [], []>, transpose_lhs_hint = false} : vector<2528x128xf32>, vector<128x8xf32>, vector<2528x8xf32> -> vector<2528x8xf32>
    %add3A = vector.broadcast %dot_general3A_24 : vector<1x8xf32> to vector<2528x8xf32>
    %add3A_33 = arith.addf %dot_general3A_32, %add3A : vector<2528x8xf32>
    %add3A_34 = vector.broadcast %convert_element_type3A_27 : vector<1x8xf32> to vector<2528x8xf32>
    %add3A_35 = arith.addf %add3A_33, %add3A_34 : vector<2528x8xf32>
    %swap3A = arith.constant 0 : index
    %swap3A_36 = arith.constant 0 : index
    %swap3A_37 = vector.load %arg8[%swap3A, %swap3A_36] : memref<2528x8xf32, #tpu.memory_space<vmem>>, vector<2528x8xf32>
    tpu.vector_store %arg8[%swap3A, %swap3A_36], %add3A_35 {strides = array<i32>} : memref<2528x8xf32, #tpu.memory_space<vmem>>, vector<2528x8xf32>,
    return
  }
  func.func @transform_0(%arg0: i32) -> (i32, i32) {
    %c0_i32 = arith.constant 0 : i32
    %c0_i32_0 = arith.constant 0 : i32
    return %arg0, %c0_i32 : i32, i32
  }
  func.func @transform_1(%arg0: i32) -> (i32, i32) {
    %c0_i32 = arith.constant 0 : i32
    %c0_i32_0 = arith.constant 0 : i32
    %c0_i32_1 = arith.constant 0 : i32
    return %c0_i32, %c0_i32_0 : i32, i32
  }
  func.func @transform_2(%arg0: i32) -> (i32, i32) {
    %c0_i32 = arith.constant 0 : i32
    %c0_i32_0 = arith.constant 0 : i32
    %c0_i32_1 = arith.constant 0 : i32
    return %c0_i32, %c0_i32_0 : i32, i32
  }
  func.func @transform_3(%arg0: i32) -> (i32, i32) {
    %c0_i32 = arith.constant 0 : i32
    %c0_i32_0 = arith.constant 0 : i32
    %c0_i32_1 = arith.constant 0 : i32
    return %c0_i32, %c0_i32_0 : i32, i32
  }
  func.func @transform_4(%arg0: i32) -> (i32, i32) {
    %c0_i32 = arith.constant 0 : i32
    %c0_i32_0 = arith.constant 0 : i32
    %c0_i32_1 = arith.constant 0 : i32
    return %c0_i32, %c0_i32_0 : i32, i32
  }
  func.func @transform_5(%arg0: i32) -> (i32, i32) {
    %c0_i32 = arith.constant 0 : i32
    %c0_i32_0 = arith.constant 0 : i32
    %c0_i32_1 = arith.constant 0 : i32
    return %c0_i32, %c0_i32_0 : i32, i32
  }
  func.func @transform_6(%arg0: i32) -> (i32, i32) {
    %c0_i32 = arith.constant 0 : i32
    %c0_i32_0 = arith.constant 0 : i32
    %c0_i32_1 = arith.constant 0 : i32
    return %c0_i32, %c0_i32_0 : i32, i32
  }
  func.func @transform_7(%arg0: i32) -> (i32, i32) {
    %c0_i32 = arith.constant 0 : i32
    %c0_i32_0 = arith.constant 0 : i32
    return %arg0, %c0_i32 : i32, i32
  }
}

module attributes {stable_mosaic.version = 14 : i64} {
  func.func @_ep_body(%arg0: i32, %arg1: memref<10112x8xf32, #tpu.memory_space<vmem>>, %arg2: memref<10112x8xf32, #tpu.memory_space<vmem>>, %arg3: memref<64x8xf32, #tpu.memory_space<vmem>>, %arg4: memref<64x1xf32, #tpu.memory_space<vmem>>, %arg5: memref<1x64xf32, #tpu.memory_space<vmem>>, %arg6: memref<1x8xf32, #tpu.memory_space<vmem>>, %arg7: memref<10000x4xf32, #tpu.memory_space<vmem>>) attributes {dimension_semantics = [#tpu.dimension_semantics<arbitrary>], iteration_bounds = array<i64: 1>, scalar_prefetch = 0 : i64, scratch_operands = 0 : i64, tpu.core_type = #tpu.core_type<tc>, window_params = [{pipeline_mode = #tpu.pipeline_mode<synchronous>, transform_indices = @transform_0, window_bounds = array<i64: 10112, 8>}, {pipeline_mode = #tpu.pipeline_mode<synchronous>, transform_indices = @transform_1, window_bounds = array<i64: 10112, 8>}, {pipeline_mode = #tpu.pipeline_mode<synchronous>, transform_indices = @transform_2, window_bounds = array<i64: 64, 8>}, {pipeline_mode = #tpu.pipeline_mode<synchronous>, transform_indices = @transform_3, window_bounds = array<i64: 64, 1>}, {pipeline_mode = #tpu.pipeline_mode<synchronous>, transform_indices = @transform_4, window_bounds = array<i64: 1, 64>}, {pipeline_mode = #tpu.pipeline_mode<synchronous>, transform_indices = @transform_5, window_bounds = array<i64: 1, 8>}, {pipeline_mode = #tpu.pipeline_mode<synchronous>, transform_indices = @transform_6, window_bounds = array<i64: 10000, 4>}]} {
    %get3A = arith.constant 0 : index
    %get3A_0 = arith.constant 0 : index
    %get3A_1 = vector.load %arg3[%get3A, %get3A_0] : memref<64x8xf32, #tpu.memory_space<vmem>>, vector<64x8xf32>
    %get3A_2 = arith.constant 0 : index
    %get3A_3 = arith.constant 0 : index
    %get3A_4 = vector.load %arg4[%get3A_2, %get3A_3] : memref<64x1xf32, #tpu.memory_space<vmem>>, vector<64x1xf32>
    %mul3A = vector.broadcast %get3A_4 : vector<64x1xf32> to vector<64x8xf32>
    %mul3A_5 = arith.mulf %get3A_1, %mul3A : vector<64x8xf32>
    %get3A_6 = arith.constant 0 : index
    %get3A_7 = arith.constant 0 : index
    %get3A_8 = vector.load %arg5[%get3A_6, %get3A_7] : memref<1x64xf32, #tpu.memory_space<vmem>>, vector<1x64xf32>
    %dot_general3A = arith.constant dense<0.000000e+00> : vector<1x8xf32>
    %dot_general3A_9 = tpu.matmul %get3A_8, %mul3A_5, %dot_general3A {dimension_numbers = #tpu.dot_dimension_numbers<[1], [0], [0], [1], [0, 0, 1, 1], [], []>, transpose_lhs_hint = false} : vector<1x64xf32>, vector<64x8xf32>, vector<1x8xf32> -> vector<1x8xf32>
    %get3A_10 = arith.constant 0 : index
    %get3A_11 = arith.constant 4 : index
    %get3A_12 = vector.load %arg1[%get3A_10, %get3A_11] : memref<10112x8xf32, #tpu.memory_space<vmem>>, vector<10112x1xf32>
    %get3A_13 = arith.constant 0 : index
    %get3A_14 = arith.constant 0 : index
    %get3A_15 = vector.load %arg2[%get3A_13, %get3A_14] : memref<10112x8xf32, #tpu.memory_space<vmem>>, vector<10112x8xf32>
    %mul3A_16 = vector.broadcast %get3A_12 : vector<10112x1xf32> to vector<10112x8xf32>
    %mul3A_17 = vector.broadcast %dot_general3A_9 : vector<1x8xf32> to vector<10112x8xf32>
    %mul3A_18 = arith.mulf %mul3A_16, %mul3A_17 : vector<10112x8xf32>
    %add3A = arith.addf %get3A_15, %mul3A_18 : vector<10112x8xf32>
    %get3A_19 = arith.constant 0 : index
    %get3A_20 = arith.constant 0 : index
    %get3A_21 = vector.load %arg6[%get3A_19, %get3A_20] : memref<1x8xf32, #tpu.memory_space<vmem>>, vector<1x8xf32>
    %add3A_22 = vector.broadcast %get3A_21 : vector<1x8xf32> to vector<10112x8xf32>
    %add3A_23 = arith.addf %add3A, %add3A_22 : vector<10112x8xf32>
    %slice3A = vector.extract_strided_slice %add3A_23 {offsets = [0, 0], sizes = [10000, 4], strides = [1, 1]} : vector<10112x8xf32> to vector<10000x4xf32>
    %swap3A = arith.constant 0 : index
    %swap3A_24 = arith.constant 0 : index
    %swap3A_25 = vector.load %arg7[%swap3A, %swap3A_24] : memref<10000x4xf32, #tpu.memory_space<vmem>>, vector<10000x4xf32>
    tpu.vector_store %arg7[%swap3A, %swap3A_24], %slice3A {strides = array<i32>} : memref<10000x4xf32, #tpu.memory_space<vmem>>, vector<10000x4xf32>,
    return
  }
  func.func @transform_0(%arg0: i32) -> (i32, i32) {
    %c0_i32 = arith.constant 0 : i32
    %c0_i32_0 = arith.constant 0 : i32
    %c0_i32_1 = arith.constant 0 : i32
    return %c0_i32, %c0_i32_0 : i32, i32
  }
  func.func @transform_1(%arg0: i32) -> (i32, i32) {
    %c0_i32 = arith.constant 0 : i32
    %c0_i32_0 = arith.constant 0 : i32
    %c0_i32_1 = arith.constant 0 : i32
    return %c0_i32, %c0_i32_0 : i32, i32
  }
  func.func @transform_2(%arg0: i32) -> (i32, i32) {
    %c0_i32 = arith.constant 0 : i32
    %c0_i32_0 = arith.constant 0 : i32
    %c0_i32_1 = arith.constant 0 : i32
    return %c0_i32, %c0_i32_0 : i32, i32
  }
  func.func @transform_3(%arg0: i32) -> (i32, i32) {
    %c0_i32 = arith.constant 0 : i32
    %c0_i32_0 = arith.constant 0 : i32
    %c0_i32_1 = arith.constant 0 : i32
    return %c0_i32, %c0_i32_0 : i32, i32
  }
  func.func @transform_4(%arg0: i32) -> (i32, i32) {
    %c0_i32 = arith.constant 0 : i32
    %c0_i32_0 = arith.constant 0 : i32
    %c0_i32_1 = arith.constant 0 : i32
    return %c0_i32, %c0_i32_0 : i32, i32
  }
  func.func @transform_5(%arg0: i32) -> (i32, i32) {
    %c0_i32 = arith.constant 0 : i32
    %c0_i32_0 = arith.constant 0 : i32
    %c0_i32_1 = arith.constant 0 : i32
    return %c0_i32, %c0_i32_0 : i32, i32
  }
  func.func @transform_6(%arg0: i32) -> (i32, i32) {
    %c0_i32 = arith.constant 0 : i32
    %c0_i32_0 = arith.constant 0 : i32
    %c0_i32_1 = arith.constant 0 : i32
    return %c0_i32, %c0_i32_0 : i32, i32
  }
}

</mosaic_0001>

<sc_bundles>
// kernel: kernel.5.cloned.1.call-start
scs
__scs_entry_jumppad:
0x0: {  	(pc) =	sbr.rel $0x88, $3  }
0x1: {  	(tag) =	ssettag $0x0;
	lr =	simm.s32 $0x1  }
0x2: {  	[smem:$0x3F97] =	sst lr;
	_ =	strace $0xD0000000  }
0x3: {  	_ = 	snop  }
0x4: {  	_ = 	snop  }
0x5: {  	_ = 	snop  }
0x6: {  	_ = 	snop  }
0x7: {  	_ = 	snop  }
__scs_overlays_trampoline_lowered:
0x8: {  	[smem:$0x3FA6] =	sst s0  }
0x9: {  	[smem:$0x3FA7] =	sst s1  }
0xa: {  	[smem:$0x3FA8] =	sst s2  }
0xb: {  	[smem:$0x3FA9] =	sst s3  }
0xc: {  	[smem:$0x3FAA] =	sst s4  }
0xd: {  	[smem:$0x3FAB] =	sst s5  }
0xe: {  	[smem:$0x3FAC] =	sst s6  }
0xf: {  	[smem:$0x3FAD] =	sst s7  }
0x10: {  	[smem:$0x3FAE] =	sst s8  }
0x11: {  	[smem:$0x3FAF] =	sst s9;
	s0 =	simm.s32 @!p0 $0x0  }
0x12: {  	s1 =	sld [smem:$0x3F95];
	s0 =	simm.s32 @p0 $0x1  }
0x13: {  	[smem:$0x3FB0] =	sst s0;
	s0 =	simm.s32 @!p1 $0x0  }
0x14: {  	s2 =	sld [smem:$0x3F94];
	s0 =	simm.s32 @p1 $0x1  }
0x15: {  	[smem:$0x3FB1] =	sst s0;
	s0 =	simm.s32 @!p2 $0x0  }
0x16: {  	s3 =	sld [smem:$0x3FDB];
	s0 =	simm.s32 @p2 $0x1  }
0x17: {  	s4 =	simm.s32 $0x1BF5;
	[smem:$0x3FB3] =	sst s0  }
0x18: {  	s0 =	sld [smem:$0x3F96];
	_ =	swait.ge [sflag:s4], $0x0  }
0x19: {  	s7 =	sld [smem:$0x3F97]  }
0x1a: {  	s8 =	sadd.s32 $0xFFFFE003, lr  }
0x1b: {  	s9 =	sadd.s32 $0xFFFFFEF7, lr;
	s5 =	simm.s32 $0xFFFFFFFF;
	p2 =	slt.u32 s8, $0xFFFFF086  }
0x1c: {  	p1 =	slt.u32 s9, $0xF7A;
	s5 =	simm.s32 @!p2 $0x0  }
0x1d: {  	s5 =	simm.s32 @p1 $0x1;
	p0 =	seq.s32 s7, s2  }
0x1e: {  	s7 =	smul.u32 @!p0 $0xF7A, s2;
	p2 =	seq.s32 @!p0 s5, $0x0  }
0x1f: {  	s9 =	smul.u32 $0xF7A, s1;
	s8 =	simm.s32 @!p0 $0x1BF5;
	p2 =	por !p2, p0  }
0x20: {  	[sflag:s8] =	ssyncset.s32 @!p0 $0xFFFFF086;
	s6 =	sadd.s32 @!p0 s3, s7;
	s7 =	simm.s32 @!p0 $0x108  }
0x21: {  	s3 =	sadd.s32 s3, s9;
	s6 =	sadd.s32 @!p0 $0x88, s6;
	s7 =	simm.s32 @p2 $0x1082  }
0x22: {  	[simem:s7], [sflag:s8] =	dma.local @!p0 [hbm:s6], $0xF7A  }
0x23: {  	s9 =	sor.u32 $0xD0000000, s2;
	s6 =	simm.s32 $0x108;
	_ =	swait.ge @!p0 [sflag:s8], $0x0  }
0x24: {  	s3 =	sadd.s32 $0x88, s3;
	s6 =	simm.s32 @!p1 $0x1082;
	[sflag:s4] =	ssyncset.s32 $0xFFFFF086  }
0x25: {  	[simem:s6], [sflag:s4] =	dma.local [hbm:s3], $0xF7A  }
0x26: {  	[smem:$0x3F97] =	sst s1;
	(tag) =	ssettag s2;
	_ =	strace s9  }
0x27: {  	s1 =	sld [smem:$0x3FA7]  }
0x28: {  	s2 =	sld [smem:$0x3FA8]  }
0x29: {  	s4 =	sld [smem:$0x3FAA]  }
0x2a: {  	p0 =	seq.s32 s5, $0x0;
	s5 =	sld [smem:$0x3FAB]  }
0x2b: {  	s6 =	sld [smem:$0x3FAC]  }
0x2c: {  	s7 =	sld [smem:$0x3FAD]  }
0x2d: {  	s3 =	simm.s32 $0x108;
	s8 =	sld [smem:$0x3FAE]  }
0x2e: {  	s3 =	simm.s32 @!p0 $0x1082;
	s9 =	sld [smem:$0x3FAF]  }
0x2f: {  	lr =	sadd.s32 s0, s3;
	s0 =	sld [smem:$0x3FA6]  }
0x30: {  	s3 =	sld [smem:$0x3FA9]  }
0x31: {  	[smem:$0x3FB2] =	sst s10  }
0x32: {  	s10 =	sld [smem:$0x3FB0];
	_ =	sdelay $0x3  }
0x33: {  	p0 =	seq.s32 s10, $0x1;
	s10 =	sld [smem:$0x3FB2];
	_ =	sdelay $0x3  }
0x34: {  	[smem:$0x3FB2] =	sst s10  }
0x35: {  	s10 =	sld [smem:$0x3FB1];
	_ =	sdelay $0x3  }
0x36: {  	p1 =	seq.s32 s10, $0x1;
	s10 =	sld [smem:$0x3FB2];
	_ =	sdelay $0x3  }
0x37: {  	[smem:$0x3FB2] =	sst s10  }
0x38: {  	s10 =	sld [smem:$0x3FB3]  }
0x39: {  	_ = 	snop;
	(pc) =	sbr.ind lr, $3  }
0x3a: {  	_ = 	snop  }
0x3b: {  	_ = 	snop  }
0x3c: {  	p2 =	seq.s32 s10, $0x1;
	s10 =	sld [smem:$0x3FB2]  }
0x3d: {  	_ =	shalt  }
0x3e: {  	_ =	shalt  }
0x3f: {  	_ =	shalt  }
0x40: {  	_ =	shalt  }
0x41: {  	_ =	shalt  }
0x42: {  	_ =	shalt  }
0x43: {  	_ =	shalt  }
0x44: {  	_ =	shalt  }
0x45: {  	_ =	shalt  }
0x46: {  	_ =	shalt  }
0x47: {  	_ =	shalt  }
0x48: {  	_ =	shalt  }
0x49: {  	_ =	shalt  }
0x4a: {  	_ =	shalt  }
0x4b: {  	_ =	shalt  }
0x4c: {  	_ =	shalt  }
0x4d: {  	_ =	shalt  }
0x4e: {  	_ =	shalt  }
0x4f: {  	_ =	shalt  }
0x50: {  	_ =	shalt  }
0x51: {  	_ =	shalt  }
0x52: {  	_ =	shalt  }
0x53: {  	_ =	shalt  }
0x54: {  	_ =	shalt  }
0x55: {  	_ =	shalt  }
0x56: {  	_ =	shalt  }
0x57: {  	_ =	shalt  }
0x58: {  	_ =	shalt  }
0x59: {  	_ =	shalt  }
0x5a: {  	_ =	shalt  }
0x5b: {  	_ =	shalt  }
0x5c: {  	_ =	shalt  }
0x5d: {  	_ =	shalt  }
0x5e: {  	_ =	shalt  }
0x5f: {  	_ =	shalt  }
0x60: {  	_ =	shalt  }
0x61: {  	_ =	shalt  }
0x62: {  	_ =	shalt  }
0x63: {  	_ =	shalt  }
0x64: {  	_ =	shalt  }
0x65: {  	_ =	shalt  }
0x66: {  	_ =	shalt  }
0x67: {  	_ =	shalt  }
0x68: {  	_ =	shalt  }
0x69: {  	_ =	shalt  }
0x6a: {  	_ =	shalt  }
0x6b: {  	_ =	shalt  }
0x6c: {  	_ =	shalt  }
0x6d: {  	_ =	shalt  }
0x6e: {  	_ =	shalt  }
0x6f: {  	_ =	shalt  }
0x70: {  	_ =	shalt  }
0x71: {  	_ =	shalt  }
0x72: {  	_ =	shalt  }
0x73: {  	_ =	shalt  }
0x74: {  	_ =	shalt  }
0x75: {  	_ =	shalt  }
0x76: {  	_ =	shalt  }
0x77: {  	_ =	shalt  }
0x78: {  	_ =	shalt  }
0x79: {  	_ =	shalt  }
0x7a: {  	_ =	shalt  }
0x7b: {  	_ =	shalt  }
0x7c: {  	_ =	shalt  }
0x7d: {  	_ =	shalt  }
0x7e: {  	_ =	shalt  }
0x7f: {  	_ =	shalt  }
0x80: {  	_ =	shalt  }
0x81: {  	_ =	shalt  }
0x82: {  	_ =	shalt  }
0x83: {  	_ =	shalt  }
0x84: {  	_ =	shalt  }
0x85: {  	_ =	shalt  }
0x86: {  	_ =	shalt  }
0x87: {  	_ =	shalt  }
.Lfunc_end0:
.L_simem_size_0:
called_computation_lowered:
.L_overlay_start_0:
0x88: {  	s0 =	sld [smem:$0x3FD9]  }
0x89: {  	s1 =	sld [smem:$0x3FFE];
	_ =	sdelay $0x3  }
0x8a: {  	s0 =	sadd.s32 s1, s0  }
0x8b: {  	[smem:$0x3FBE] =	sst s0  }
0x8c: {  	_ = 	snop  }
0x8d: {  	(tm) =	ssettm $0x1  }
0x8e: {  	s15 =	sld [smem:$0x3FFB];
	_ =	sdelay $0x3  }
0x8f: {  	_ =	strace s15  }
0x90: {  	s0 =	sld [smem:$0x3FFC];
	_ =	sdelay $0x3  }
0x91: {  	_ =	strace s0  }
0x92: {  	s0 =	sld [smem:$0x3FFD];
	_ =	sdelay $0x3  }
0x93: {  	_ =	strace s0  }
0x94: {  	_ =	strace $0x8FFFFFFF  }
0x95: {  	s16 =	sld [smem:$0x3FDB];
	_ =	sdelay $0x1  }
0x96: {  	s17 =	simm.s32 $_scs_section_size  }
0x97: {  	s2 =	simm.s32 $_size__tile_overlayer_lowered;
	s3 =	simm.s32 $_tile_overlayer_lowered  }
0x98: {  	s20 =	simm.s32 $0x1BFF;
	s19 =	sshll.u32 s3, $0x1;
	s0 =	sadd.s32 s17, s16  }
0x99: {  	s4 =	simm.s32 $0x0;
	s18 =	sshll.u32 s2, $0x1;
	s2 =	sadd.s32 s19, s0  }
0x9a: {  	[timem:s4], [sflag:s20] =	dma.local [hbm:s2], s18  }
0x9b: {  	_ =	swait.ge [sflag:s20], s18  }
0x9c: {  	s1 =	ssub.s32 $0x0, s18;
	[sflag:s20] =	ssyncset.done $0x0  }
0x9d: {  	[sflag:s20] =	ssyncadd.s32 s1;
	_ =	sdelay $0x1  }
0x9e: {  	s21 =	simm.s32 $0x1B8B  }
0x9f: {  	_ =	swait.ge [sflag:s21], $0x1  }
0xa0: {  	[sflag:s21] =	ssyncset.done $0x0  }
0xa1: {  	s23 =	simm.s32 $0x1B8E;
	s22 =	sld [smem:$0x3FFE];
	[sflag:s21] =	ssyncadd.s32 $0xFFFFFFFF  }
0xa2: {  	s24 =	simm.s32 $execute0_lowered;
	[smem:$0x3FD2] =	sst s23  }
0xa3: {  	s2 =	sshll.u32 s24, $0x1;
	_ =	strace $0x80000046;
	[dreg:$0x1] =	wrdreg $0xFFFFFFFF  }
0xa4: {  	s25 =	simm.s32 $_size_execute0_lowered;
	s0 =	sadd.s32 s0, s2;
	[dreg:$0x0] =	wrdreg $0x0  }
0xa5: {  	s2 =	sshll.u32 s25, $0x1;
	[dreg:$0x2] =	wrdreg s0  }
0xa6: {  	[dreg:$0x3] =	wrdreg s2  }
0xa7: {  	[dreg:$0x4] =	wrdreg $0xC0  }
0xa8: {  	_ =	task [dreg:s4], $0x5FFFF  }
0xa9: {  	[dreg:$0x1] =	wrdreg $0xFFFFFFFF  }
0xaa: {  	[dreg:$0x0] =	wrdreg $0x60  }
0xab: {  	[dreg:$0x2] =	wrdreg s22  }
0xac: {  	[dreg:$0x3] =	wrdreg $0xA4000  }
0xad: {  	[dreg:$0x4] =	wrdreg $0xB7C00  }
0xae: {  	[dreg:$0x5] =	wrdreg $0x9  }
0xaf: {  	_ =	task.clear_ibuf [dreg:s4], $0x6FFFF;
	_ =	strace $0x90000046  }
0xb0: {  	s26 =	simm.s32 $0x9;
	_ =	strace $0x80000048  }
0xb1: {  	_ =	swait.ge [sflag:s26], $0x1  }
0xb2: {  	[sflag:s26] =	ssyncadd.s32 $0xFFFFFFFF  }
0xb3: {  	_ =	strace $0x90000048  }
0xb4: {  	_ =	sfence  }
0xb5: {  	s28 =	sld [smem:$0x0];
	_ =	sdelay $0x1  }
0xb6: {  	s29 =	srdreg.scid  }
0xb7: {  	s30 =	sshll.u32 s29, $0xD;
	s31 =	sshrl.u32 s29, $0x2  }
0xb8: {  	s1 =	sand.u32 $0x1, s29;
	s2 =	sand.u32 $0x4000, s30;
	s0 =	sadd.s32 s31, s28  }
0xb9: {  	s1 =	sor.u32 s2, s1;
	s0 =	sshll.u32 s0, $0x11  }
0xba: {  	s0 =	sor.u32 s0, s1  }
0xbb: {  	s0 =	sadd.s32 $0x8F2B, s0  }
0xbc: {  	[sflag:s0] =	ssyncadd.remote.s32 $0x1  }
0xbd: {  	_ =	sfence.sel $0xFFFF  }
0xbe: {  	[dreg:$0x0] =	wrdreg $0xFFFFFFFF;
	(pc) =	sbr.abs _section_cstart, $3  }
0xbf: {  	[dreg:$0x1] =	wrdreg $0xFFFFFFFF  }
0xc0: {  	_ =	task.clear_ibuf [dreg:s4], $0x2FFFF;
	_ =	strace $0x9FFFFFFF  }
0xc1: {  	(tm) =	ssettm $0x7FFFFFFF  }
tec
execute0_lowered:
.L_overlay_start_1:
0x0: {  	(tag) =	ssettag $0x1  }
0x1: {  	s7 =	rddreg [dreg:$0x0]  }
0x2: {  	s3 =	rddreg [dreg:$0x1]  }
0x3: {  	s2 =	rddreg [dreg:$0x2];
	s1 =	stileid.u32  }
0x4: {  	s0 =	rddreg [dreg:$0x3];
	s10 =	simm.s32 $0x0;
	s6 =	smul.u32 $0x13C0, s1  }
0x5: {  	[smem:$0x7FF] =	sst s10  }
0x6: {  	s9 =	sshll.u32 s1, $0x6;
	s4 =	sshrl.u32 s6, $0x3;
	s8 =	sadd.s32 s6, s3  }
0x7: {  	_ =	strace $0x80000047;
	s5 =	sadd.s32 s4, s7;
	s8 =	sshrl.u32 s8, $0x3  }
0x8: {  	s11 =	sadd.s32 $0x17800, s5;
	s5 =	sor.u32 $0x1C02, s9;
	s9 =	simm.s32 $0x2  }
0x9: {  	[spmem:s8], [sflag:s5] =	dma.local [hbm:s11], $0x278  }
0xa: {  	_ =	swait.ge [sflag:s9], $0x278  }
0xb: {  	s6 =	sadd.s32 s6, s2;
	[sflag:s9] =	ssyncset.done $0x0  }
0xc: {  	s12 =	smul.u32 $0xA00, s1;
	s6 =	sshrl.u32 s6, $0x3;
	[sflag:s9] =	ssyncadd.s32 $0xFFFFFD88  }
0xd: {  	[spmem:s6], [sflag:s5] =	dma.local [hbm:s11], $0x278  }
0xe: {  	_ =	swait.ge [sflag:s9], $0x278  }
0xf: {  	s29 =	sadd.s32 s12, s7;
	[sflag:s9] =	ssyncset.done $0x0  }
0x10: {  	s12 =	sadd.s32 $0xB000, s29;
	[sflag:s9] =	ssyncadd.s32 $0xFFFFFD88  }
0x11: {  	[tilespmem:s10], [sflag:$0x2] =	stream.linear.gather [hbm4b:s12+s10], $0x5000, $0x38;
	[tilespmem:$0xCB80] =	vst v63  }
0x12: {  	_ =	swait.ge [sflag:s9], $0x5000  }
0x13: {  	[sflag:s9] =	ssyncset.done $0x0  }
0x14: {  	s30 =	simm.s32 $0x5000;
	s11 =	sadd.s32 $0x1000, s29;
	[sflag:s9] =	ssyncadd.s32 $0xFFFFB000  }
0x15: {  	[tilespmem:s30], [sflag:$0x2] =	stream.linear.gather [hbm4b:s11+s10], $0x5000, $0x38;
	[tilespmem:$0xCB80] =	vst v63  }
0x16: {  	_ =	swait.ge [sflag:s9], $0x5000  }
0x17: {  	s13 =	simm.s32 $0x1;
	[sflag:s9] =	ssyncset.done $0x0  }
0x18: {  	s14 =	simm.s32 $0x5000;
	s12 =	sadd.s32 $0x15000, s7;
	[sflag:s9] =	ssyncadd.s32 $0xFFFFB000  }
0x19: {  	s10 =	simm.s32 $0x80;
	s11 =	simm.s32 $0xA000;
	[bflag:$0x0] =	sbarrier.arrive $0xFFFF  }
0x1a: {  	[tilespmem:s11], [sflag:$0x1] =	stream.indirect.gather [hbm4b:s12+s10], $0x8, s14, s10, $0xb8;
	[tilespmem:$0xCB80] =	vst v63  }
0x1b: {  	_ =	swait.ge [sflag:s13], $0x400  }
0x1c: {  	[sflag:s13] =	ssyncset.done $0x0  }
0x1d: {  	s31 =	simm.s32 $0x0;
	[sflag:s13] =	ssyncadd.s32 $0xFFFFFC00  }
0x1e: {  	[spmem:s3] =	stream.indirect.scatter.add.f32 [tilespmem:s11], [sflag:$0x2], $0x8, s31, s10, $0xb8;
	[tilespmem:$0xCB80] =	vst v63  }
0x1f: {  	s16 =	simm.s32 $0x400;
	s15 =	simm.s32 $0x80;
	_ =	swait.ge [sflag:s9], $0x400  }
0x20: {  	s14 =	sadd.s32 $0x1C800, s7;
	s7 =	sadd.s32 $0x1A000, s7;
	[sflag:s9] =	ssyncset.done $0x0  }
.LBB2_1:
0x21: {  	s17 =	sadd.s32 $0x5000, s15  }
0x22: {  	[sflag:s9] =	ssyncadd.s32 $0xFFFFFC00;
	s18 =	smov.u32 s16;
	s19 =	sadd.s32 $0x200, s16  }
0x23: {  	[tilespmem:s11], [sflag:$0x1] =	stream.indirect.gather [hbm4b:s12+s10], $0x8, s17, s10, $0xb8;
	[tilespmem:$0xCB80] =	vst v63  }
0x24: {  	p0 =	sne.s32 s16, $0x13E00;
	_ =	swait.ge [sflag:s13], $0x400  }
.Ltmp0:
0x25: {  	[sflag:s13] =	ssyncset.done $0x0;
	(pc) =	sbr.rel @p0 .LBB2_1-.Ltmp0, $4  }
0x26: {  	[sflag:s13] =	ssyncadd.s32 $0xFFFFFC00  }
0x27: {  	[spmem:s3] =	stream.indirect.scatter.add.f32 [tilespmem:s11], [sflag:$0x2], $0x8, s15, s10, $0xb8;
	[tilespmem:$0xCB80] =	vst v63  }
0x28: {  	_ =	swait.ge [sflag:s9], $0x400  }
0x29: {  	s16 =	smov.u32 s19;
	s15 =	sshra.s32 s18, $0x2;
	[sflag:s9] =	ssyncset.done $0x0  }
0x2a: {  	s16 =	sadd.s32 $0x5000, s15;
	[sflag:s9] =	ssyncadd.s32 $0xFFFFFC00  }
0x2b: {  	[tilespmem:s11], [sflag:$0x1] =	stream.indirect.gather [hbm4b:s12+s10], $0x8, s16, s10, $0xb8;
	[tilespmem:$0xCB80] =	vst v63  }
0x2c: {  	_ =	swait.ge [sflag:s13], $0x400  }
0x2d: {  	[sflag:s13] =	ssyncset.done $0x0  }
0x2e: {  	[sflag:s13] =	ssyncadd.s32 $0xFFFFFC00  }
0x2f: {  	[spmem:s3] =	stream.indirect.scatter.add.f32 [tilespmem:s11], [sflag:$0x2], $0x8, s15, s10, $0xb8;
	[tilespmem:$0xCB80] =	vst v63  }
0x30: {  	_ =	swait.ge [sflag:s9], $0x400  }
0x31: {  	[sflag:s9] =	ssyncset.done $0x0  }
0x32: {  	[sflag:s9] =	ssyncadd.s32 $0xFFFFFC00  }
0x33: {  	s29 =	sadd.s32 s14, s4;
	[bflag:$0x0] =	sbarrier.arrive $0xFFFF  }
0x34: {  	[hbm:s29], [sflag:s5] =	dma.local [spmem:s8], $0x278  }
0x35: {  	s8 =	simm.s32 $0x2  }
0x36: {  	_ =	swait.ge [sflag:s8], $0x278  }
0x37: {  	s30 =	simm.s32 $0x5000;
	s10 =	simm.s32 $0xA000;
	[sflag:s8] =	ssyncset.done $0x0  }
0x38: {  	s11 =	simm.s32 $0x1;
	s9 =	simm.s32 $0x80;
	[sflag:s8] =	ssyncadd.s32 $0xFFFFFD88  }
0x39: {  	[tilespmem:s10], [sflag:$0x1] =	stream.indirect.gather [spmem:s3], $0x8, s30, s9, $0xb8;
	[tilespmem:$0xCB80] =	vst v63  }
0x3a: {  	_ =	swait.ge [sflag:s11], $0x400  }
0x3b: {  	[sflag:s11] =	ssyncset.done $0x0  }
0x3c: {  	s31 =	simm.s32 $0x0;
	[sflag:s11] =	ssyncadd.s32 $0xFFFFFC00  }
0x3d: {  	[spmem:s2] =	stream.indirect.scatter.add.f32 [tilespmem:s10], [sflag:$0x2], $0x8, s31, s9, $0xb8;
	[tilespmem:$0xCB80] =	vst v63  }
0x3e: {  	_ =	swait.ge [sflag:s8], $0x400  }
0x3f: {  	s12 =	simm.s32 $0x80;
	s13 =	simm.s32 $0x400;
	[sflag:s8] =	ssyncset.done $0x0  }
.LBB2_3:
0x40: {  	s14 =	sadd.s32 $0x5000, s12  }
0x41: {  	[sflag:s8] =	ssyncadd.s32 $0xFFFFFC00;
	s15 =	smov.u32 s13;
	s16 =	sadd.s32 $0x200, s13  }
0x42: {  	[tilespmem:s10], [sflag:$0x1] =	stream.indirect.gather [spmem:s3], $0x8, s14, s9, $0xb8;
	[tilespmem:$0xCB80] =	vst v63  }
0x43: {  	p0 =	sne.s32 s13, $0x13E00;
	_ =	swait.ge [sflag:s11], $0x400  }
.Ltmp1:
0x44: {  	[sflag:s11] =	ssyncset.done $0x0;
	(pc) =	sbr.rel @p0 .LBB2_3-.Ltmp1, $4  }
0x45: {  	[sflag:s11] =	ssyncadd.s32 $0xFFFFFC00  }
0x46: {  	[spmem:s2] =	stream.indirect.scatter.add.f32 [tilespmem:s10], [sflag:$0x2], $0x8, s12, s9, $0xb8;
	[tilespmem:$0xCB80] =	vst v63  }
0x47: {  	_ =	swait.ge [sflag:s8], $0x400  }
0x48: {  	s13 =	smov.u32 s16;
	s12 =	sshra.s32 s15, $0x2;
	[sflag:s8] =	ssyncset.done $0x0  }
0x49: {  	s13 =	sadd.s32 $0x5000, s12;
	[sflag:s8] =	ssyncadd.s32 $0xFFFFFC00  }
0x4a: {  	[tilespmem:s10], [sflag:$0x1] =	stream.indirect.gather [spmem:s3], $0x8, s13, s9, $0xb8;
	[tilespmem:$0xCB80] =	vst v63  }
0x4b: {  	_ =	swait.ge [sflag:s11], $0x400  }
0x4c: {  	[sflag:s11] =	ssyncset.done $0x0  }
0x4d: {  	[sflag:s11] =	ssyncadd.s32 $0xFFFFFC00  }
0x4e: {  	[spmem:s2] =	stream.indirect.scatter.add.f32 [tilespmem:s10], [sflag:$0x2], $0x8, s12, s9, $0xb8;
	[tilespmem:$0xCB80] =	vst v63  }
0x4f: {  	_ =	swait.ge [sflag:s8], $0x400  }
0x50: {  	[sflag:s8] =	ssyncset.done $0x0  }
0x51: {  	[sflag:s8] =	ssyncadd.s32 $0xFFFFFC00  }
0x52: {  	s30 =	sadd.s32 s7, s4;
	s31 =	simm.s32 $0x2;
	[bflag:$0x0] =	sbarrier.arrive $0xFFFF  }
0x53: {  	[hbm:s30], [sflag:s5] =	dma.local [spmem:s6], $0x278  }
0x54: {  	_ =	swait.ge [sflag:s31], $0x278  }
0x55: {  	[sflag:s31] =	ssyncset.done $0x0  }
0x56: {  	[sflag:s31] =	ssyncadd.s32 $0xFFFFFD88  }
0x57: {  	_ =	sfence.sel $0x180000  }
0x58: {  	[bflag:$0x0] =	sbarrier.arrive $0xFFFF  }
0x59: {  	p0 =	sne.s32 s1, $0x0;
	_ =	strace $0x90000047  }
0x5a: {  	s0 =	sadd.s32 @!p0 $0x100000, s0;
	[bflag:$0x2] =	sbarrier.arrive $0xFFFF  }
0x5b: {  	[sflag:s0] =	ssyncadd.tile.s32 @!p0 $0x1;
	_ =	shalt  }
.Lfunc_end2:
_tile_overlayer_lowered:
.L_overlay_start_2:
0x5c: {  	(tag) =	ssettag $0x2  }
0x5d: {  	s0 =	rddreg [dreg:$0x0];
	s2 =	stileid.u32  }
0x5e: {  	s1 =	rddreg [dreg:$0x1];
	p0 =	sne.s32 s2, $0x0  }
0x5f: {  	s3 =	rddreg [dreg:$0x2];
	[bflag:$0x3] =	sbarrier.arrive $0xFFFF;
	s2 =	simm.s32 @!p0 $0x1C02  }
0x60: {  	[timem:s3], [sflag:s2] =	dma.local @!p0 [hbm:s0], s1  }
0x61: {  	s0 =	simm.s32 @!p0 $0x2  }
0x62: {  	_ =	swait.ge @!p0 [sflag:s0], s1  }
0x63: {  	s1 =	ssub.s32 @!p0 $0x0, s1;
	[sflag:s0] =	ssyncset.done @!p0 $0x0  }
0x64: {  	[sflag:s0] =	ssyncadd.s32 @!p0 s1  }
0x65: {  	[bflag:$0x3] =	sbarrier.arrive $0xFFFF  }
0x66: {  	_ =	shalt  }

</sc_bundles>
